<compile_context>
chip_gen: v7x
topology: tpu7x:2x2x1
jax: 0.10.2.dev20260603
libtpu: 0.0.44.dev20260713+nightly
codegen_flags: <defaults>
</compile_context>

<pallas_src>
import jax
import jax.numpy as jnp
from jax import lax
from jax.experimental import pallas as pl
from jax.experimental.pallas import tpu as pltpu
from jax.experimental.pallas import tpu_sc as plsc

NUM_NODES = 10000
NUM_EDGES = 320000
NUM_RELATIONS = 500
EMBED_DIM = 128

NC = 2
NS = 16
NW = NC * NS
LANES = 16

EDGES_PER_W = NUM_EDGES // NW
CHUNK = 80
CHUNKS_PER_W = EDGES_PER_W // CHUNK
DSLICES = EMBED_DIM // LANES
GROUPS = CHUNK // LANES


def _dist_mult_body(z_hbm, src_hbm, dst_hbm, typ_hbm, rel_hbm, out_hbm,
                    idx_s, idx_d, idx_r, out_all, tmp,
                    rs0, rd0, rr0, rs1, rd1, rr1, sem0, sem1):
    wid = lax.axis_index("s") * NC + lax.axis_index("c")
    base_w = wid * EDGES_PER_W
    slots = ((rs0, rd0, rr0, sem0), (rs1, rd1, rr1, sem1))

    pltpu.sync_copy(src_hbm.at[pl.ds(base_w, EDGES_PER_W)], idx_s)
    pltpu.sync_copy(dst_hbm.at[pl.ds(base_w, EDGES_PER_W)], idx_d)
    pltpu.sync_copy(typ_hbm.at[pl.ds(base_w, EDGES_PER_W)], idx_r)

    def fire(c, slot):
        rs, rd, rr, sem = slots[slot]
        off = c * CHUNK
        pltpu.async_copy(z_hbm.at[idx_s.at[pl.ds(off, CHUNK)]], rs, sem)
        pltpu.async_copy(z_hbm.at[idx_d.at[pl.ds(off, CHUNK)]], rd, sem)
        pltpu.async_copy(rel_hbm.at[idx_r.at[pl.ds(off, CHUNK)]], rr, sem)

    def drain(slot):
        rs, rd, rr, sem = slots[slot]
        pltpu.make_async_copy(z_hbm.at[idx_s.at[pl.ds(0, CHUNK)]], rs, sem).wait()
        pltpu.make_async_copy(z_hbm.at[idx_d.at[pl.ds(0, CHUNK)]], rd, sem).wait()
        pltpu.make_async_copy(rel_hbm.at[idx_r.at[pl.ds(0, CHUNK)]], rr, sem).wait()

    zeros16 = jnp.zeros((LANES,), jnp.float32)

    def compute(c, slot):
        def group_body(g, _):
            out_all[pl.ds(c * CHUNK + g * LANES, LANES)] = zeros16
            return 0
        lax.fori_loop(0, GROUPS, group_body, 0)

    fire(0, 0)

    def pair_body(h, _):
        c = 2 * h
        fire(c + 1, 1)
        drain(0)
        compute(c, 0)
        fire(c + 2, 0)
        drain(1)
        compute(c + 1, 1)
        return 0

    lax.fori_loop(0, (CHUNKS_PER_W - 1) // 2, pair_body, 0)
    drain(0)
    compute(CHUNKS_PER_W - 1, 0)

    pltpu.sync_copy(out_all, out_hbm.at[pl.ds(base_w, EDGES_PER_W)])


@jax.jit
def kernel(z, edge_index, edge_type, rel_emb):
    src = edge_index[0].astype(jnp.int32)
    dst = edge_index[1].astype(jnp.int32)
    typ = edge_type.astype(jnp.int32)
    mesh = plsc.VectorSubcoreMesh(core_axis_name="c", subcore_axis_name="s")
    k = pl.kernel(
        _dist_mult_body,
        out_type=jax.ShapeDtypeStruct((NUM_EDGES,), jnp.float32),
        mesh=mesh,
        scratch_types=[
            pltpu.VMEM((EDGES_PER_W,), jnp.int32),
            pltpu.VMEM((EDGES_PER_W,), jnp.int32),
            pltpu.VMEM((EDGES_PER_W,), jnp.int32),
            pltpu.VMEM((EDGES_PER_W,), jnp.float32),
            pltpu.VMEM((LANES * LANES + LANES,), jnp.float32),
            pltpu.VMEM((CHUNK, EMBED_DIM), jnp.float32),
            pltpu.VMEM((CHUNK, EMBED_DIM), jnp.float32),
            pltpu.VMEM((CHUNK, EMBED_DIM), jnp.float32),
            pltpu.VMEM((CHUNK, EMBED_DIM), jnp.float32),
            pltpu.VMEM((CHUNK, EMBED_DIM), jnp.float32),
            pltpu.VMEM((CHUNK, EMBED_DIM), jnp.float32),
            pltpu.SemaphoreType.DMA,
            pltpu.SemaphoreType.DMA,
        ],
    )
    return k(z, src, dst, typ, rel_emb)

# --- scband reference (transcript-rebuilt; emitter-appended) ---
"""Pipeline reference for scband-dist-mult-decoder-66735201845308 (READ-ONLY COPY).

The authoritative reference and input builder live on the scoring server;
editing this copy changes nothing except your own understanding.
"""

import jax, jax.numpy as jnp
import numpy as np

NUM_NODES = 10000
NUM_EDGES = 320000
NUM_RELATIONS = 500
EMBED_DIM = 128


def setup_inputs(seed: int = 0) -> dict:
    key = jax.random.key(seed)
    k1, k2, k3, k4 = jax.random.split(key, 4)
    z = jax.random.normal(k1, (NUM_NODES, EMBED_DIM), dtype=jnp.float32)
    edge_index = jax.random.randint(k2, (2, NUM_EDGES), 0, NUM_NODES, dtype=jnp.int64)
    edge_type = jax.random.randint(k3, (NUM_EDGES,), 0, NUM_RELATIONS, dtype=jnp.int64)
    # xavier_uniform_ init for rel_emb: bound = sqrt(6 / (fan_in + fan_out))
    bound = float(np.sqrt(6.0 / (NUM_RELATIONS + EMBED_DIM)))
    rel_emb = jax.random.uniform(k4, (NUM_RELATIONS, EMBED_DIM), dtype=jnp.float32, minval=-bound, maxval=bound)
    return {"z": z, "edge_index": edge_index, "edge_type": edge_type, "rel_emb": rel_emb}


def reference(z, edge_index, edge_type, rel_emb):
    # DistMult score: sum(z_src * rel * z_dst, dim=1)
    z_src = jnp.take(z, edge_index[0], axis=0)
    z_dst = jnp.take(z, edge_index[1], axis=0)
    rel = jnp.take(rel_emb, edge_type, axis=0)
    return jnp.sum(z_src * rel * z_dst, axis=1)

if __name__ == "__main__":
    import jax
    _d = setup_inputs()
    print(jax.jit(kernel)(*tuple(_d.values())))

</pallas_src>

<mosaic_0001>
#map = affine_map<(d0, d1) -> (0, 0)>
#map1 = affine_map<(d0, d1) -> (0)>
module attributes {stable_mosaic.version = 14 : i64} {
  func.func @_dist_mult_body(%arg0: i32, %arg1: i32, %arg2: memref<10000x128xf32, #tpu.memory_space<hbm>>, %arg3: memref<320000xi32, #tpu.memory_space<hbm>>, %arg4: memref<320000xi32, #tpu.memory_space<hbm>>, %arg5: memref<320000xi32, #tpu.memory_space<hbm>>, %arg6: memref<500x128xf32, #tpu.memory_space<hbm>>, %arg7: memref<320000xf32, #tpu.memory_space<hbm>>, %arg8: memref<10000xi32, #tpu.memory_space<vmem>>, %arg9: memref<10000xi32, #tpu.memory_space<vmem>>, %arg10: memref<10000xi32, #tpu.memory_space<vmem>>, %arg11: memref<10000xf32, #tpu.memory_space<vmem>>, %arg12: memref<272xf32, #tpu.memory_space<vmem>>, %arg13: memref<80x128xf32, #tpu.memory_space<vmem>>, %arg14: memref<80x128xf32, #tpu.memory_space<vmem>>, %arg15: memref<80x128xf32, #tpu.memory_space<vmem>>, %arg16: memref<80x128xf32, #tpu.memory_space<vmem>>, %arg17: memref<80x128xf32, #tpu.memory_space<vmem>>, %arg18: memref<80x128xf32, #tpu.memory_space<vmem>>, %arg19: memref<!tpu.dma_semaphore, #tpu.memory_space<semaphore_mem>>, %arg20: memref<!tpu.dma_semaphore, #tpu.memory_space<semaphore_mem>>) attributes {dimension_semantics = [#tpu.dimension_semantics<core_parallel>, #tpu.dimension_semantics<subcore_parallel>], iteration_bounds = array<i64: 2, 16>, scalar_prefetch = 0 : i64, scratch_operands = 13 : i64, tpu.core_type = #tpu.core_type<sc_vector_subcore>, window_params = [{transform_indices = #map}, {transform_indices = #map1}, {transform_indices = #map1}, {transform_indices = #map1}, {transform_indices = #map}, {transform_indices = #map1}]} {
    %mul3A = arith.constant 2 : i32
    %mul3A_0 = arith.muli %arg1, %mul3A : i32
    %add3A = arith.addi %mul3A_0, %arg0 : i32
    %mul3A_1 = arith.constant 10000 : i32
    %mul3A_2 = arith.muli %add3A, %mul3A_1 : i32
    "tpu.region"() ({
      %run_scoped3A = tpu.sem_alloc : memref<!tpu.dma_semaphore, #tpu.memory_space<semaphore_mem>>
      %dma_start3A_45 = tpu.memref_slice %arg3[%mul3A_2] : memref<320000xi32, #tpu.memory_space<hbm>> -> memref<10000xi32, #tpu.memory_space<hbm>>
      %dma_start3A_46 = tpu.memref_slice %arg3[%mul3A_2] : memref<320000xi32, #tpu.memory_space<hbm>> -> memref<10000xi32, #tpu.memory_space<hbm>>
      tpu.enqueue_dma source(%dma_start3A_46 : memref<10000xi32, #tpu.memory_space<hbm>>) target(%arg8 : memref<10000xi32, #tpu.memory_space<vmem>>) target_semaphore(%run_scoped3A : memref<!tpu.dma_semaphore, #tpu.memory_space<semaphore_mem>>)
      %dma_wait3A_47 = tpu.memref_slice %arg3[%mul3A_2] : memref<320000xi32, #tpu.memory_space<hbm>> -> memref<10000xi32, #tpu.memory_space<hbm>>
      %dma_wait3A_48 = tpu.memref_slice %arg3[%mul3A_2] : memref<320000xi32, #tpu.memory_space<hbm>> -> memref<10000xi32, #tpu.memory_space<hbm>>
      tpu.wait_dma2 semaphore(%run_scoped3A : memref<!tpu.dma_semaphore, #tpu.memory_space<semaphore_mem>>) src(%dma_wait3A_48 : memref<10000xi32, #tpu.memory_space<hbm>>) dst(%arg8 : memref<10000xi32, #tpu.memory_space<vmem>>)
      tpu.yield
    }) : () -> ()
    "tpu.region"() ({
      %run_scoped3A = tpu.sem_alloc : memref<!tpu.dma_semaphore, #tpu.memory_space<semaphore_mem>>
      %dma_start3A_45 = tpu.memref_slice %arg4[%mul3A_2] : memref<320000xi32, #tpu.memory_space<hbm>> -> memref<10000xi32, #tpu.memory_space<hbm>>
      %dma_start3A_46 = tpu.memref_slice %arg4[%mul3A_2] : memref<320000xi32, #tpu.memory_space<hbm>> -> memref<10000xi32, #tpu.memory_space<hbm>>
      tpu.enqueue_dma source(%dma_start3A_46 : memref<10000xi32, #tpu.memory_space<hbm>>) target(%arg9 : memref<10000xi32, #tpu.memory_space<vmem>>) target_semaphore(%run_scoped3A : memref<!tpu.dma_semaphore, #tpu.memory_space<semaphore_mem>>)
      %dma_wait3A_47 = tpu.memref_slice %arg4[%mul3A_2] : memref<320000xi32, #tpu.memory_space<hbm>> -> memref<10000xi32, #tpu.memory_space<hbm>>
      %dma_wait3A_48 = tpu.memref_slice %arg4[%mul3A_2] : memref<320000xi32, #tpu.memory_space<hbm>> -> memref<10000xi32, #tpu.memory_space<hbm>>
      tpu.wait_dma2 semaphore(%run_scoped3A : memref<!tpu.dma_semaphore, #tpu.memory_space<semaphore_mem>>) src(%dma_wait3A_48 : memref<10000xi32, #tpu.memory_space<hbm>>) dst(%arg9 : memref<10000xi32, #tpu.memory_space<vmem>>)
      tpu.yield
    }) : () -> ()
    "tpu.region"() ({
      %run_scoped3A = tpu.sem_alloc : memref<!tpu.dma_semaphore, #tpu.memory_space<semaphore_mem>>
      %dma_start3A_45 = tpu.memref_slice %arg5[%mul3A_2] : memref<320000xi32, #tpu.memory_space<hbm>> -> memref<10000xi32, #tpu.memory_space<hbm>>
      %dma_start3A_46 = tpu.memref_slice %arg5[%mul3A_2] : memref<320000xi32, #tpu.memory_space<hbm>> -> memref<10000xi32, #tpu.memory_space<hbm>>
      tpu.enqueue_dma source(%dma_start3A_46 : memref<10000xi32, #tpu.memory_space<hbm>>) target(%arg10 : memref<10000xi32, #tpu.memory_space<vmem>>) target_semaphore(%run_scoped3A : memref<!tpu.dma_semaphore, #tpu.memory_space<semaphore_mem>>)
      %dma_wait3A_47 = tpu.memref_slice %arg5[%mul3A_2] : memref<320000xi32, #tpu.memory_space<hbm>> -> memref<10000xi32, #tpu.memory_space<hbm>>
      %dma_wait3A_48 = tpu.memref_slice %arg5[%mul3A_2] : memref<320000xi32, #tpu.memory_space<hbm>> -> memref<10000xi32, #tpu.memory_space<hbm>>
      tpu.wait_dma2 semaphore(%run_scoped3A : memref<!tpu.dma_semaphore, #tpu.memory_space<semaphore_mem>>) src(%dma_wait3A_48 : memref<10000xi32, #tpu.memory_space<hbm>>) dst(%arg10 : memref<10000xi32, #tpu.memory_space<vmem>>)
      tpu.yield
    }) : () -> ()
    %broadcast_in_dim3A = arith.constant 0.000000e+00 : f32
    %broadcast_in_dim3A_3 = vector.broadcast %broadcast_in_dim3A : f32 to vector<16xf32>
    %dma_start3A = arith.constant 0 : i32
    %dma_start3A_4 = tpu.memref_slice %arg8[%dma_start3A] : memref<10000xi32, #tpu.memory_space<vmem>> -> memref<80xi32, #tpu.memory_space<vmem>>
    %dma_start3A_5 = arith.constant 0 : i32
    %dma_start3A_6 = arith.constant 0 : i32
    %dma_start3A_7 = tpu.memref_slice %arg2[%dma_start3A_5, %dma_start3A_6] : memref<10000x128xf32, #tpu.memory_space<hbm>> -> memref<10000x128xf32, #tpu.memory_space<hbm>>
    tpu.enqueue_indirect_dma source(%dma_start3A_7 : memref<10000x128xf32, #tpu.memory_space<hbm>>) target(%arg13 : memref<80x128xf32, #tpu.memory_space<vmem>>) offsets(%dma_start3A_4 : memref<80xi32, #tpu.memory_space<vmem>>) semaphore(%arg19 : memref<!tpu.dma_semaphore, #tpu.memory_space<semaphore_mem>>)
    %dma_start3A_8 = arith.constant 0 : i32
    %dma_start3A_9 = tpu.memref_slice %arg9[%dma_start3A_8] : memref<10000xi32, #tpu.memory_space<vmem>> -> memref<80xi32, #tpu.memory_space<vmem>>
    %dma_start3A_10 = arith.constant 0 : i32
    %dma_start3A_11 = arith.constant 0 : i32
    %dma_start3A_12 = tpu.memref_slice %arg2[%dma_start3A_10, %dma_start3A_11] : memref<10000x128xf32, #tpu.memory_space<hbm>> -> memref<10000x128xf32, #tpu.memory_space<hbm>>
    tpu.enqueue_indirect_dma source(%dma_start3A_12 : memref<10000x128xf32, #tpu.memory_space<hbm>>) target(%arg14 : memref<80x128xf32, #tpu.memory_space<vmem>>) offsets(%dma_start3A_9 : memref<80xi32, #tpu.memory_space<vmem>>) semaphore(%arg19 : memref<!tpu.dma_semaphore, #tpu.memory_space<semaphore_mem>>)
    %dma_start3A_13 = arith.constant 0 : i32
    %dma_start3A_14 = tpu.memref_slice %arg10[%dma_start3A_13] : memref<10000xi32, #tpu.memory_space<vmem>> -> memref<80xi32, #tpu.memory_space<vmem>>
    %dma_start3A_15 = arith.constant 0 : i32
    %dma_start3A_16 = arith.constant 0 : i32
    %dma_start3A_17 = tpu.memref_slice %arg6[%dma_start3A_15, %dma_start3A_16] : memref<500x128xf32, #tpu.memory_space<hbm>> -> memref<500x128xf32, #tpu.memory_space<hbm>>
    tpu.enqueue_indirect_dma source(%dma_start3A_17 : memref<500x128xf32, #tpu.memory_space<hbm>>) target(%arg15 : memref<80x128xf32, #tpu.memory_space<vmem>>) offsets(%dma_start3A_14 : memref<80xi32, #tpu.memory_space<vmem>>) semaphore(%arg19 : memref<!tpu.dma_semaphore, #tpu.memory_space<semaphore_mem>>)
    %scan3A = arith.constant 0 : i32
    %scan3A_18 = arith.constant 0 : i32
    %scan3A_19 = arith.constant 62 : i32
    %scan3A_20 = arith.addi %scan3A_18, %scan3A_19 : i32
    %scan3A_21 = arith.constant 1 : i32
    %scan3A_22 = scf.for %scan3A_45 = %scan3A_18 to %scan3A_20 step %scan3A_21 iter_args(%scan3A_46 = %scan3A) -> (i32)  : i32 {
      %mul3A_47 = arith.constant 2 : i32
      %mul3A_48 = arith.muli %mul3A_47, %scan3A_45 : i32
      %add3A_49 = arith.constant 1 : i32
      %add3A_50 = arith.addi %mul3A_48, %add3A_49 : i32
      %mul3A_51 = arith.constant 80 : i32
      %mul3A_52 = arith.muli %add3A_50, %mul3A_51 : i32
      %dma_start3A_53 = tpu.memref_slice %arg8[%mul3A_52] : memref<10000xi32, #tpu.memory_space<vmem>> -> memref<80xi32, #tpu.memory_space<vmem>>
      %dma_start3A_54 = arith.constant 0 : i32
      %dma_start3A_55 = arith.constant 0 : i32
      %dma_start3A_56 = tpu.memref_slice %arg2[%dma_start3A_54, %dma_start3A_55] : memref<10000x128xf32, #tpu.memory_space<hbm>> -> memref<10000x128xf32, #tpu.memory_space<hbm>>
      tpu.enqueue_indirect_dma source(%dma_start3A_56 : memref<10000x128xf32, #tpu.memory_space<hbm>>) target(%arg16 : memref<80x128xf32, #tpu.memory_space<vmem>>) offsets(%dma_start3A_53 : memref<80xi32, #tpu.memory_space<vmem>>) semaphore(%arg20 : memref<!tpu.dma_semaphore, #tpu.memory_space<semaphore_mem>>)
      %dma_start3A_57 = tpu.memref_slice %arg9[%mul3A_52] : memref<10000xi32, #tpu.memory_space<vmem>> -> memref<80xi32, #tpu.memory_space<vmem>>
      %dma_start3A_58 = arith.constant 0 : i32
      %dma_start3A_59 = arith.constant 0 : i32
      %dma_start3A_60 = tpu.memref_slice %arg2[%dma_start3A_58, %dma_start3A_59] : memref<10000x128xf32, #tpu.memory_space<hbm>> -> memref<10000x128xf32, #tpu.memory_space<hbm>>
      tpu.enqueue_indirect_dma source(%dma_start3A_60 : memref<10000x128xf32, #tpu.memory_space<hbm>>) target(%arg17 : memref<80x128xf32, #tpu.memory_space<vmem>>) offsets(%dma_start3A_57 : memref<80xi32, #tpu.memory_space<vmem>>) semaphore(%arg20 : memref<!tpu.dma_semaphore, #tpu.memory_space<semaphore_mem>>)
      %dma_start3A_61 = tpu.memref_slice %arg10[%mul3A_52] : memref<10000xi32, #tpu.memory_space<vmem>> -> memref<80xi32, #tpu.memory_space<vmem>>
      %dma_start3A_62 = arith.constant 0 : i32
      %dma_start3A_63 = arith.constant 0 : i32
      %dma_start3A_64 = tpu.memref_slice %arg6[%dma_start3A_62, %dma_start3A_63] : memref<500x128xf32, #tpu.memory_space<hbm>> -> memref<500x128xf32, #tpu.memory_space<hbm>>
      tpu.enqueue_indirect_dma source(%dma_start3A_64 : memref<500x128xf32, #tpu.memory_space<hbm>>) target(%arg18 : memref<80x128xf32, #tpu.memory_space<vmem>>) offsets(%dma_start3A_61 : memref<80xi32, #tpu.memory_space<vmem>>) semaphore(%arg20 : memref<!tpu.dma_semaphore, #tpu.memory_space<semaphore_mem>>)
      %dma_wait3A_65 = arith.constant 0 : i32
      %dma_wait3A_66 = tpu.memref_slice %arg8[%dma_wait3A_65] : memref<10000xi32, #tpu.memory_space<vmem>> -> memref<80xi32, #tpu.memory_space<vmem>>
      %dma_wait3A_67 = arith.constant 0 : i32
      %dma_wait3A_68 = arith.constant 0 : i32
      %dma_wait3A_69 = tpu.memref_slice %arg2[%dma_wait3A_67, %dma_wait3A_68] : memref<10000x128xf32, #tpu.memory_space<hbm>> -> memref<10000x128xf32, #tpu.memory_space<hbm>>
      tpu.wait_indirect_dma semaphore(%arg19 : memref<!tpu.dma_semaphore, #tpu.memory_space<semaphore_mem>>) src(%dma_wait3A_69 : memref<10000x128xf32, #tpu.memory_space<hbm>>) dst(%arg13 : memref<80x128xf32, #tpu.memory_space<vmem>>)
      %dma_wait3A_70 = arith.constant 0 : i32
      %dma_wait3A_71 = tpu.memref_slice %arg9[%dma_wait3A_70] : memref<10000xi32, #tpu.memory_space<vmem>> -> memref<80xi32, #tpu.memory_space<vmem>>
      %dma_wait3A_72 = arith.constant 0 : i32
      %dma_wait3A_73 = arith.constant 0 : i32
      %dma_wait3A_74 = tpu.memref_slice %arg2[%dma_wait3A_72, %dma_wait3A_73] : memref<10000x128xf32, #tpu.memory_space<hbm>> -> memref<10000x128xf32, #tpu.memory_space<hbm>>
      tpu.wait_indirect_dma semaphore(%arg19 : memref<!tpu.dma_semaphore, #tpu.memory_space<semaphore_mem>>) src(%dma_wait3A_74 : memref<10000x128xf32, #tpu.memory_space<hbm>>) dst(%arg14 : memref<80x128xf32, #tpu.memory_space<vmem>>)
      %dma_wait3A_75 = arith.constant 0 : i32
      %dma_wait3A_76 = tpu.memref_slice %arg10[%dma_wait3A_75] : memref<10000xi32, #tpu.memory_space<vmem>> -> memref<80xi32, #tpu.memory_space<vmem>>
      %dma_wait3A_77 = arith.constant 0 : i32
      %dma_wait3A_78 = arith.constant 0 : i32
      %dma_wait3A_79 = tpu.memref_slice %arg6[%dma_wait3A_77, %dma_wait3A_78] : memref<500x128xf32, #tpu.memory_space<hbm>> -> memref<500x128xf32, #tpu.memory_space<hbm>>
      tpu.wait_indirect_dma semaphore(%arg19 : memref<!tpu.dma_semaphore, #tpu.memory_space<semaphore_mem>>) src(%dma_wait3A_79 : memref<500x128xf32, #tpu.memory_space<hbm>>) dst(%arg15 : memref<80x128xf32, #tpu.memory_space<vmem>>)
      %scan3A_80 = arith.constant 0 : i32
      %scan3A_81 = arith.constant 0 : i32
      %scan3A_82 = arith.constant 5 : i32
      %scan3A_83 = arith.addi %scan3A_81, %scan3A_82 : i32
      %scan3A_84 = arith.constant 1 : i32
      %scan3A_85 = scf.for %scan3A_128 = %scan3A_81 to %scan3A_83 step %scan3A_84 iter_args(%scan3A_129 = %scan3A_80) -> (i32)  : i32 {
        %mul3A_130 = arith.constant 80 : i32
        %mul3A_131 = arith.muli %mul3A_48, %mul3A_130 : i32
        %mul3A_132 = arith.constant 16 : i32
        %mul3A_133 = arith.muli %scan3A_128, %mul3A_132 : i32
        %add3A_134 = arith.addi %mul3A_131, %mul3A_133 : i32
        %swap3A = arith.index_cast %add3A_134 : i32 to index
        %swap3A_135 = tpu.vector_load %arg11[%swap3A] {strides = array<i32>} : memref<10000xf32, #tpu.memory_space<vmem>>, vector<16xf32>,
        %swap3A_136 = vector.shape_cast %swap3A_135 : vector<16xf32> to vector<16xf32>
        %swap3A_137 = vector.shape_cast %broadcast_in_dim3A_3 : vector<16xf32> to vector<16xf32>
        tpu.vector_store %arg11[%swap3A], %swap3A_137 {strides = array<i32>} : memref<10000xf32, #tpu.memory_space<vmem>>, vector<16xf32>,
        %scan3A_138 = arith.constant 0 : i32
        scf.yield %scan3A_138 : i32
      }
      %scan3A_86 = arith.constant 5 : i32
      %add3A_87 = arith.constant 2 : i32
      %add3A_88 = arith.addi %mul3A_48, %add3A_87 : i32
      %mul3A_89 = arith.constant 80 : i32
      %mul3A_90 = arith.muli %add3A_88, %mul3A_89 : i32
      %dma_start3A_91 = tpu.memref_slice %arg8[%mul3A_90] : memref<10000xi32, #tpu.memory_space<vmem>> -> memref<80xi32, #tpu.memory_space<vmem>>
      %dma_start3A_92 = arith.constant 0 : i32
      %dma_start3A_93 = arith.constant 0 : i32
      %dma_start3A_94 = tpu.memref_slice %arg2[%dma_start3A_92, %dma_start3A_93] : memref<10000x128xf32, #tpu.memory_space<hbm>> -> memref<10000x128xf32, #tpu.memory_space<hbm>>
      tpu.enqueue_indirect_dma source(%dma_start3A_94 : memref<10000x128xf32, #tpu.memory_space<hbm>>) target(%arg13 : memref<80x128xf32, #tpu.memory_space<vmem>>) offsets(%dma_start3A_91 : memref<80xi32, #tpu.memory_space<vmem>>) semaphore(%arg19 : memref<!tpu.dma_semaphore, #tpu.memory_space<semaphore_mem>>)
      %dma_start3A_95 = tpu.memref_slice %arg9[%mul3A_90] : memref<10000xi32, #tpu.memory_space<vmem>> -> memref<80xi32, #tpu.memory_space<vmem>>
      %dma_start3A_96 = arith.constant 0 : i32
      %dma_start3A_97 = arith.constant 0 : i32
      %dma_start3A_98 = tpu.memref_slice %arg2[%dma_start3A_96, %dma_start3A_97] : memref<10000x128xf32, #tpu.memory_space<hbm>> -> memref<10000x128xf32, #tpu.memory_space<hbm>>
      tpu.enqueue_indirect_dma source(%dma_start3A_98 : memref<10000x128xf32, #tpu.memory_space<hbm>>) target(%arg14 : memref<80x128xf32, #tpu.memory_space<vmem>>) offsets(%dma_start3A_95 : memref<80xi32, #tpu.memory_space<vmem>>) semaphore(%arg19 : memref<!tpu.dma_semaphore, #tpu.memory_space<semaphore_mem>>)
      %dma_start3A_99 = tpu.memref_slice %arg10[%mul3A_90] : memref<10000xi32, #tpu.memory_space<vmem>> -> memref<80xi32, #tpu.memory_space<vmem>>
      %dma_start3A_100 = arith.constant 0 : i32
      %dma_start3A_101 = arith.constant 0 : i32
      %dma_start3A_102 = tpu.memref_slice %arg6[%dma_start3A_100, %dma_start3A_101] : memref<500x128xf32, #tpu.memory_space<hbm>> -> memref<500x128xf32, #tpu.memory_space<hbm>>
      tpu.enqueue_indirect_dma source(%dma_start3A_102 : memref<500x128xf32, #tpu.memory_space<hbm>>) target(%arg15 : memref<80x128xf32, #tpu.memory_space<vmem>>) offsets(%dma_start3A_99 : memref<80xi32, #tpu.memory_space<vmem>>) semaphore(%arg19 : memref<!tpu.dma_semaphore, #tpu.memory_space<semaphore_mem>>)
      %dma_wait3A_103 = arith.constant 0 : i32
      %dma_wait3A_104 = tpu.memref_slice %arg8[%dma_wait3A_103] : memref<10000xi32, #tpu.memory_space<vmem>> -> memref<80xi32, #tpu.memory_space<vmem>>
      %dma_wait3A_105 = arith.constant 0 : i32
      %dma_wait3A_106 = arith.constant 0 : i32
      %dma_wait3A_107 = tpu.memref_slice %arg2[%dma_wait3A_105, %dma_wait3A_106] : memref<10000x128xf32, #tpu.memory_space<hbm>> -> memref<10000x128xf32, #tpu.memory_space<hbm>>
      tpu.wait_indirect_dma semaphore(%arg20 : memref<!tpu.dma_semaphore, #tpu.memory_space<semaphore_mem>>) src(%dma_wait3A_107 : memref<10000x128xf32, #tpu.memory_space<hbm>>) dst(%arg16 : memref<80x128xf32, #tpu.memory_space<vmem>>)
      %dma_wait3A_108 = arith.constant 0 : i32
      %dma_wait3A_109 = tpu.memref_slice %arg9[%dma_wait3A_108] : memref<10000xi32, #tpu.memory_space<vmem>> -> memref<80xi32, #tpu.memory_space<vmem>>
      %dma_wait3A_110 = arith.constant 0 : i32
      %dma_wait3A_111 = arith.constant 0 : i32
      %dma_wait3A_112 = tpu.memref_slice %arg2[%dma_wait3A_110, %dma_wait3A_111] : memref<10000x128xf32, #tpu.memory_space<hbm>> -> memref<10000x128xf32, #tpu.memory_space<hbm>>
      tpu.wait_indirect_dma semaphore(%arg20 : memref<!tpu.dma_semaphore, #tpu.memory_space<semaphore_mem>>) src(%dma_wait3A_112 : memref<10000x128xf32, #tpu.memory_space<hbm>>) dst(%arg17 : memref<80x128xf32, #tpu.memory_space<vmem>>)
      %dma_wait3A_113 = arith.constant 0 : i32
      %dma_wait3A_114 = tpu.memref_slice %arg10[%dma_wait3A_113] : memref<10000xi32, #tpu.memory_space<vmem>> -> memref<80xi32, #tpu.memory_space<vmem>>
      %dma_wait3A_115 = arith.constant 0 : i32
      %dma_wait3A_116 = arith.constant 0 : i32
      %dma_wait3A_117 = tpu.memref_slice %arg6[%dma_wait3A_115, %dma_wait3A_116] : memref<500x128xf32, #tpu.memory_space<hbm>> -> memref<500x128xf32, #tpu.memory_space<hbm>>
      tpu.wait_indirect_dma semaphore(%arg20 : memref<!tpu.dma_semaphore, #tpu.memory_space<semaphore_mem>>) src(%dma_wait3A_117 : memref<500x128xf32, #tpu.memory_space<hbm>>) dst(%arg18 : memref<80x128xf32, #tpu.memory_space<vmem>>)
      %add3A_118 = arith.constant 1 : i32
      %add3A_119 = arith.addi %mul3A_48, %add3A_118 : i32
      %scan3A_120 = arith.constant 0 : i32
      %scan3A_121 = arith.constant 0 : i32
      %scan3A_122 = arith.constant 5 : i32
      %scan3A_123 = arith.addi %scan3A_121, %scan3A_122 : i32
      %scan3A_124 = arith.constant 1 : i32
      %scan3A_125 = scf.for %scan3A_128 = %scan3A_121 to %scan3A_123 step %scan3A_124 iter_args(%scan3A_129 = %scan3A_120) -> (i32)  : i32 {
        %mul3A_130 = arith.constant 80 : i32
        %mul3A_131 = arith.muli %add3A_119, %mul3A_130 : i32
        %mul3A_132 = arith.constant 16 : i32
        %mul3A_133 = arith.muli %scan3A_128, %mul3A_132 : i32
        %add3A_134 = arith.addi %mul3A_131, %mul3A_133 : i32
        %swap3A = arith.index_cast %add3A_134 : i32 to index
        %swap3A_135 = tpu.vector_load %arg11[%swap3A] {strides = array<i32>} : memref<10000xf32, #tpu.memory_space<vmem>>, vector<16xf32>,
        %swap3A_136 = vector.shape_cast %swap3A_135 : vector<16xf32> to vector<16xf32>
        %swap3A_137 = vector.shape_cast %broadcast_in_dim3A_3 : vector<16xf32> to vector<16xf32>
        tpu.vector_store %arg11[%swap3A], %swap3A_137 {strides = array<i32>} : memref<10000xf32, #tpu.memory_space<vmem>>, vector<16xf32>,
        %scan3A_138 = arith.constant 0 : i32
        scf.yield %scan3A_138 : i32
      }
      %scan3A_126 = arith.constant 5 : i32
      %scan3A_127 = arith.constant 0 : i32
      scf.yield %scan3A_127 : i32
    }
    %scan3A_23 = arith.constant 62 : i32
    %dma_wait3A = arith.constant 0 : i32
    %dma_wait3A_24 = tpu.memref_slice %arg8[%dma_wait3A] : memref<10000xi32, #tpu.memory_space<vmem>> -> memref<80xi32, #tpu.memory_space<vmem>>
    %dma_wait3A_25 = arith.constant 0 : i32
    %dma_wait3A_26 = arith.constant 0 : i32
    %dma_wait3A_27 = tpu.memref_slice %arg2[%dma_wait3A_25, %dma_wait3A_26] : memref<10000x128xf32, #tpu.memory_space<hbm>> -> memref<10000x128xf32, #tpu.memory_space<hbm>>
    tpu.wait_indirect_dma semaphore(%arg19 : memref<!tpu.dma_semaphore, #tpu.memory_space<semaphore_mem>>) src(%dma_wait3A_27 : memref<10000x128xf32, #tpu.memory_space<hbm>>) dst(%arg13 : memref<80x128xf32, #tpu.memory_space<vmem>>)
    %dma_wait3A_28 = arith.constant 0 : i32
    %dma_wait3A_29 = tpu.memref_slice %arg9[%dma_wait3A_28] : memref<10000xi32, #tpu.memory_space<vmem>> -> memref<80xi32, #tpu.memory_space<vmem>>
    %dma_wait3A_30 = arith.constant 0 : i32
    %dma_wait3A_31 = arith.constant 0 : i32
    %dma_wait3A_32 = tpu.memref_slice %arg2[%dma_wait3A_30, %dma_wait3A_31] : memref<10000x128xf32, #tpu.memory_space<hbm>> -> memref<10000x128xf32, #tpu.memory_space<hbm>>
    tpu.wait_indirect_dma semaphore(%arg19 : memref<!tpu.dma_semaphore, #tpu.memory_space<semaphore_mem>>) src(%dma_wait3A_32 : memref<10000x128xf32, #tpu.memory_space<hbm>>) dst(%arg14 : memref<80x128xf32, #tpu.memory_space<vmem>>)
    %dma_wait3A_33 = arith.constant 0 : i32
    %dma_wait3A_34 = tpu.memref_slice %arg10[%dma_wait3A_33] : memref<10000xi32, #tpu.memory_space<vmem>> -> memref<80xi32, #tpu.memory_space<vmem>>
    %dma_wait3A_35 = arith.constant 0 : i32
    %dma_wait3A_36 = arith.constant 0 : i32
    %dma_wait3A_37 = tpu.memref_slice %arg6[%dma_wait3A_35, %dma_wait3A_36] : memref<500x128xf32, #tpu.memory_space<hbm>> -> memref<500x128xf32, #tpu.memory_space<hbm>>
    tpu.wait_indirect_dma semaphore(%arg19 : memref<!tpu.dma_semaphore, #tpu.memory_space<semaphore_mem>>) src(%dma_wait3A_37 : memref<500x128xf32, #tpu.memory_space<hbm>>) dst(%arg15 : memref<80x128xf32, #tpu.memory_space<vmem>>)
    %scan3A_38 = arith.constant 0 : i32
    %scan3A_39 = arith.constant 0 : i32
    %scan3A_40 = arith.constant 5 : i32
    %scan3A_41 = arith.addi %scan3A_39, %scan3A_40 : i32
    %scan3A_42 = arith.constant 1 : i32
    %scan3A_43 = scf.for %scan3A_45 = %scan3A_39 to %scan3A_41 step %scan3A_42 iter_args(%scan3A_46 = %scan3A_38) -> (i32)  : i32 {
      %mul3A_47 = arith.constant 16 : i32
      %mul3A_48 = arith.muli %scan3A_45, %mul3A_47 : i32
      %add3A_49 = arith.constant 9920 : i32
      %add3A_50 = arith.addi %add3A_49, %mul3A_48 : i32
      %swap3A = arith.index_cast %add3A_50 : i32 to index
      %swap3A_51 = tpu.vector_load %arg11[%swap3A] {strides = array<i32>} : memref<10000xf32, #tpu.memory_space<vmem>>, vector<16xf32>,
      %swap3A_52 = vector.shape_cast %swap3A_51 : vector<16xf32> to vector<16xf32>
      %swap3A_53 = vector.shape_cast %broadcast_in_dim3A_3 : vector<16xf32> to vector<16xf32>
      tpu.vector_store %arg11[%swap3A], %swap3A_53 {strides = array<i32>} : memref<10000xf32, #tpu.memory_space<vmem>>, vector<16xf32>,
      %scan3A_54 = arith.constant 0 : i32
      scf.yield %scan3A_54 : i32
    }
    %scan3A_44 = arith.constant 5 : i32
    "tpu.region"() ({
      %run_scoped3A = tpu.sem_alloc : memref<!tpu.dma_semaphore, #tpu.memory_space<semaphore_mem>>
      %dma_start3A_45 = tpu.memref_slice %arg7[%mul3A_2] : memref<320000xf32, #tpu.memory_space<hbm>> -> memref<10000xf32, #tpu.memory_space<hbm>>
      %dma_start3A_46 = tpu.memref_slice %arg7[%mul3A_2] : memref<320000xf32, #tpu.memory_space<hbm>> -> memref<10000xf32, #tpu.memory_space<hbm>>
      tpu.enqueue_dma source(%arg11 : memref<10000xf32, #tpu.memory_space<vmem>>) target(%dma_start3A_46 : memref<10000xf32, #tpu.memory_space<hbm>>) target_semaphore(%run_scoped3A : memref<!tpu.dma_semaphore, #tpu.memory_space<semaphore_mem>>)
      %dma_wait3A_47 = tpu.memref_slice %arg7[%mul3A_2] : memref<320000xf32, #tpu.memory_space<hbm>> -> memref<10000xf32, #tpu.memory_space<hbm>>
      %dma_wait3A_48 = tpu.memref_slice %arg7[%mul3A_2] : memref<320000xf32, #tpu.memory_space<hbm>> -> memref<10000xf32, #tpu.memory_space<hbm>>
      tpu.wait_dma2 semaphore(%run_scoped3A : memref<!tpu.dma_semaphore, #tpu.memory_space<semaphore_mem>>) src(%arg11 : memref<10000xf32, #tpu.memory_space<vmem>>) dst(%dma_wait3A_48 : memref<10000xf32, #tpu.memory_space<hbm>>)
      tpu.yield
    }) : () -> ()
    return
  }
}

</mosaic_0001>

<sc_bundles>
// kernel: kernel.3.cloned.1.call-start
scs
__scs_entry_jumppad:
0x0: {  	(pc) =	sbr.rel $0x88, $3  }
0x1: {  	(tag) =	ssettag $0x0;
	lr =	simm.s32 $0x1  }
0x2: {  	[smem:$0x3F9D] =	sst lr;
	_ =	strace $0xD0000000  }
0x3: {  	_ = 	snop  }
0x4: {  	_ = 	snop  }
0x5: {  	_ = 	snop  }
0x6: {  	_ = 	snop  }
0x7: {  	_ = 	snop  }
__scs_overlays_trampoline_lowered:
0x8: {  	[smem:$0x3FAC] =	sst s0  }
0x9: {  	[smem:$0x3FAD] =	sst s1  }
0xa: {  	[smem:$0x3FAE] =	sst s2  }
0xb: {  	[smem:$0x3FAF] =	sst s3  }
0xc: {  	[smem:$0x3FB0] =	sst s4  }
0xd: {  	[smem:$0x3FB1] =	sst s5  }
0xe: {  	[smem:$0x3FB2] =	sst s6  }
0xf: {  	[smem:$0x3FB3] =	sst s7  }
0x10: {  	[smem:$0x3FB4] =	sst s8  }
0x11: {  	[smem:$0x3FB5] =	sst s9;
	s0 =	simm.s32 @!p0 $0x0  }
0x12: {  	s1 =	sld [smem:$0x3F9B];
	s0 =	simm.s32 @p0 $0x1  }
0x13: {  	[smem:$0x3FB6] =	sst s0;
	s0 =	simm.s32 @!p1 $0x0  }
0x14: {  	s2 =	sld [smem:$0x3F9A];
	s0 =	simm.s32 @p1 $0x1  }
0x15: {  	[smem:$0x3FB7] =	sst s0;
	s0 =	simm.s32 @!p2 $0x0  }
0x16: {  	s3 =	sld [smem:$0x3FDB];
	s0 =	simm.s32 @p2 $0x1  }
0x17: {  	s4 =	simm.s32 $0x1BF5;
	[smem:$0x3FB9] =	sst s0  }
0x18: {  	s0 =	sld [smem:$0x3F9C];
	_ =	swait.ge [sflag:s4], $0x0  }
0x19: {  	s7 =	sld [smem:$0x3F9D]  }
0x1a: {  	s8 =	sadd.s32 $0xFFFFE003, lr  }
0x1b: {  	s9 =	sadd.s32 $0xFFFFFEF7, lr;
	s5 =	simm.s32 $0xFFFFFFFF;
	p2 =	slt.u32 s8, $0xFFFFF086  }
0x1c: {  	p1 =	slt.u32 s9, $0xF7A;
	s5 =	simm.s32 @!p2 $0x0  }
0x1d: {  	s5 =	simm.s32 @p1 $0x1;
	p0 =	seq.s32 s7, s2  }
0x1e: {  	s7 =	smul.u32 @!p0 $0xF7A, s2;
	p2 =	seq.s32 @!p0 s5, $0x0  }
0x1f: {  	s9 =	smul.u32 $0xF7A, s1;
	s8 =	simm.s32 @!p0 $0x1BF5;
	p2 =	por !p2, p0  }
0x20: {  	[sflag:s8] =	ssyncset.s32 @!p0 $0xFFFFF086;
	s6 =	sadd.s32 @!p0 s3, s7;
	s7 =	simm.s32 @!p0 $0x108  }
0x21: {  	s3 =	sadd.s32 s3, s9;
	s6 =	sadd.s32 @!p0 $0x88, s6;
	s7 =	simm.s32 @p2 $0x1082  }
0x22: {  	[simem:s7], [sflag:s8] =	dma.local @!p0 [hbm:s6], $0xF7A  }
0x23: {  	s9 =	sor.u32 $0xD0000000, s2;
	s6 =	simm.s32 $0x108;
	_ =	swait.ge @!p0 [sflag:s8], $0x0  }
0x24: {  	s3 =	sadd.s32 $0x88, s3;
	s6 =	simm.s32 @!p1 $0x1082;
	[sflag:s4] =	ssyncset.s32 $0xFFFFF086  }
0x25: {  	[simem:s6], [sflag:s4] =	dma.local [hbm:s3], $0xF7A  }
0x26: {  	[smem:$0x3F9D] =	sst s1;
	(tag) =	ssettag s2;
	_ =	strace s9  }
0x27: {  	s1 =	sld [smem:$0x3FAD]  }
0x28: {  	s2 =	sld [smem:$0x3FAE]  }
0x29: {  	s4 =	sld [smem:$0x3FB0]  }
0x2a: {  	p0 =	seq.s32 s5, $0x0;
	s5 =	sld [smem:$0x3FB1]  }
0x2b: {  	s6 =	sld [smem:$0x3FB2]  }
0x2c: {  	s7 =	sld [smem:$0x3FB3]  }
0x2d: {  	s3 =	simm.s32 $0x108;
	s8 =	sld [smem:$0x3FB4]  }
0x2e: {  	s3 =	simm.s32 @!p0 $0x1082;
	s9 =	sld [smem:$0x3FB5]  }
0x2f: {  	lr =	sadd.s32 s0, s3;
	s0 =	sld [smem:$0x3FAC]  }
0x30: {  	s3 =	sld [smem:$0x3FAF]  }
0x31: {  	[smem:$0x3FB8] =	sst s10  }
0x32: {  	s10 =	sld [smem:$0x3FB6];
	_ =	sdelay $0x3  }
0x33: {  	p0 =	seq.s32 s10, $0x1;
	s10 =	sld [smem:$0x3FB8];
	_ =	sdelay $0x3  }
0x34: {  	[smem:$0x3FB8] =	sst s10  }
0x35: {  	s10 =	sld [smem:$0x3FB7];
	_ =	sdelay $0x3  }
0x36: {  	p1 =	seq.s32 s10, $0x1;
	s10 =	sld [smem:$0x3FB8];
	_ =	sdelay $0x3  }
0x37: {  	[smem:$0x3FB8] =	sst s10  }
0x38: {  	s10 =	sld [smem:$0x3FB9]  }
0x39: {  	_ = 	snop;
	(pc) =	sbr.ind lr, $3  }
0x3a: {  	_ = 	snop  }
0x3b: {  	_ = 	snop  }
0x3c: {  	p2 =	seq.s32 s10, $0x1;
	s10 =	sld [smem:$0x3FB8]  }
0x3d: {  	_ =	shalt  }
0x3e: {  	_ =	shalt  }
0x3f: {  	_ =	shalt  }
0x40: {  	_ =	shalt  }
0x41: {  	_ =	shalt  }
0x42: {  	_ =	shalt  }
0x43: {  	_ =	shalt  }
0x44: {  	_ =	shalt  }
0x45: {  	_ =	shalt  }
0x46: {  	_ =	shalt  }
0x47: {  	_ =	shalt  }
0x48: {  	_ =	shalt  }
0x49: {  	_ =	shalt  }
0x4a: {  	_ =	shalt  }
0x4b: {  	_ =	shalt  }
0x4c: {  	_ =	shalt  }
0x4d: {  	_ =	shalt  }
0x4e: {  	_ =	shalt  }
0x4f: {  	_ =	shalt  }
0x50: {  	_ =	shalt  }
0x51: {  	_ =	shalt  }
0x52: {  	_ =	shalt  }
0x53: {  	_ =	shalt  }
0x54: {  	_ =	shalt  }
0x55: {  	_ =	shalt  }
0x56: {  	_ =	shalt  }
0x57: {  	_ =	shalt  }
0x58: {  	_ =	shalt  }
0x59: {  	_ =	shalt  }
0x5a: {  	_ =	shalt  }
0x5b: {  	_ =	shalt  }
0x5c: {  	_ =	shalt  }
0x5d: {  	_ =	shalt  }
0x5e: {  	_ =	shalt  }
0x5f: {  	_ =	shalt  }
0x60: {  	_ =	shalt  }
0x61: {  	_ =	shalt  }
0x62: {  	_ =	shalt  }
0x63: {  	_ =	shalt  }
0x64: {  	_ =	shalt  }
0x65: {  	_ =	shalt  }
0x66: {  	_ =	shalt  }
0x67: {  	_ =	shalt  }
0x68: {  	_ =	shalt  }
0x69: {  	_ =	shalt  }
0x6a: {  	_ =	shalt  }
0x6b: {  	_ =	shalt  }
0x6c: {  	_ =	shalt  }
0x6d: {  	_ =	shalt  }
0x6e: {  	_ =	shalt  }
0x6f: {  	_ =	shalt  }
0x70: {  	_ =	shalt  }
0x71: {  	_ =	shalt  }
0x72: {  	_ =	shalt  }
0x73: {  	_ =	shalt  }
0x74: {  	_ =	shalt  }
0x75: {  	_ =	shalt  }
0x76: {  	_ =	shalt  }
0x77: {  	_ =	shalt  }
0x78: {  	_ =	shalt  }
0x79: {  	_ =	shalt  }
0x7a: {  	_ =	shalt  }
0x7b: {  	_ =	shalt  }
0x7c: {  	_ =	shalt  }
0x7d: {  	_ =	shalt  }
0x7e: {  	_ =	shalt  }
0x7f: {  	_ =	shalt  }
0x80: {  	_ =	shalt  }
0x81: {  	_ =	shalt  }
0x82: {  	_ =	shalt  }
0x83: {  	_ =	shalt  }
0x84: {  	_ =	shalt  }
0x85: {  	_ =	shalt  }
0x86: {  	_ =	shalt  }
0x87: {  	_ =	shalt  }
.Lfunc_end0:
.L_simem_size_0:
called_computation_lowered:
.L_overlay_start_0:
0x88: {  	s2 =	sld [smem:$0x3FD9]  }
0x89: {  	s3 =	sld [smem:$0x3FFE];
	_ =	sdelay $0x1  }
0x8a: {  	s1 =	srdreg.scid  }
0x8b: {  	s0 =	sand.u32 $0x1, s1  }
0x8c: {  	s17 =	sshll.u32 s0, $0xA;
	s2 =	sadd.s32 s3, s2  }
0x8d: {  	s2 =	sadd.s32 s2, s17  }
0x8e: {  	[smem:$0x3FC4] =	sst s2  }
0x8f: {  	_ = 	snop  }
0x90: {  	s2 =	sld [smem:$0x3FC9]  }
0x91: {  	s18 =	sld [smem:$0x3FC7]  }
0x92: {  	s4 =	sld [smem:$0x3FC6]  }
0x93: {  	s5 =	sld [smem:$0x3FD0];
	(tm) =	ssettm $0x1  }
0x94: {  	s6 =	sld [smem:$0x3FFB];
	_ =	sdelay $0x3  }
0x95: {  	_ =	strace s6  }
0x96: {  	s6 =	sld [smem:$0x3FFC];
	_ =	sdelay $0x3  }
0x97: {  	_ =	strace s6  }
0x98: {  	s6 =	sld [smem:$0x3FFD];
	_ =	sdelay $0x3  }
0x99: {  	_ =	strace s6  }
0x9a: {  	_ =	strace $0x8FFFFFFF  }
0x9b: {  	s19 =	sld [smem:$0x3FDB];
	_ =	sdelay $0x1  }
0x9c: {  	s7 =	simm.s32 $_scs_section_size  }
0x9d: {  	s8 =	simm.s32 $_size__tile_overlayer_lowered;
	s9 =	simm.s32 $_tile_overlayer_lowered  }
0x9e: {  	s22 =	simm.s32 $0x1BFF;
	s21 =	sshll.u32 s9, $0x1;
	s6 =	sadd.s32 s7, s19  }
0x9f: {  	s10 =	simm.s32 $0x0;
	s20 =	sshll.u32 s8, $0x1;
	s8 =	sadd.s32 s21, s6  }
0xa0: {  	[timem:s10], [sflag:s22] =	dma.local [hbm:s8], s20  }
0xa1: {  	_ =	swait.ge [sflag:s22], s20  }
0xa2: {  	s7 =	ssub.s32 $0x0, s20;
	[sflag:s22] =	ssyncset.done $0x0  }
0xa3: {  	[sflag:s22] =	ssyncadd.s32 s7;
	_ =	sdelay $0x1  }
0xa4: {  	s23 =	simm.s32 $0x1B8B  }
0xa5: {  	_ =	swait.ge [sflag:s23], $0x1  }
0xa6: {  	[sflag:s23] =	ssyncset.done $0x0  }
0xa7: {  	s25 =	simm.s32 $0x1B8E;
	s24 =	sld [smem:$0x3FFE];
	[sflag:s23] =	ssyncadd.s32 $0xFFFFFFFF  }
0xa8: {  	s26 =	simm.s32 $execute0_lowered;
	[smem:$0x3FD2] =	sst s25  }
0xa9: {  	s8 =	sshll.u32 s26, $0x1;
	_ =	strace $0x80000046;
	[dreg:$0x1] =	wrdreg $0xFFFFFFFF  }
0xaa: {  	s28 =	simm.s32 $_size_execute0_lowered;
	s6 =	sadd.s32 s6, s8;
	[dreg:$0x0] =	wrdreg $0x0  }
0xab: {  	s8 =	sshll.u32 s28, $0x1;
	[dreg:$0x2] =	wrdreg s6  }
0xac: {  	[dreg:$0x3] =	wrdreg s8  }
0xad: {  	[dreg:$0x4] =	wrdreg $0xC0  }
0xae: {  	_ =	task [dreg:s10], $0x5FFFF  }
0xaf: {  	[dreg:$0x1] =	wrdreg $0xFFFFFFFF  }
0xb0: {  	[dreg:$0x0] =	wrdreg $0x60  }
0xb1: {  	[dreg:$0x2] =	wrdreg s2  }
0xb2: {  	[dreg:$0x3] =	wrdreg s24  }
0xb3: {  	[dreg:$0x4] =	wrdreg s18  }
0xb4: {  	[dreg:$0x5] =	wrdreg s4  }
0xb5: {  	[dreg:$0x6] =	wrdreg s5  }
0xb6: {  	[dreg:$0x7] =	wrdreg $0x9  }
0xb7: {  	_ =	task.clear_ibuf [dreg:s10], $0x8FFFF;
	_ =	strace $0x90000046  }
0xb8: {  	s29 =	simm.s32 $0x9;
	_ =	strace $0x80000048  }
0xb9: {  	_ =	swait.ge [sflag:s29], $0x1  }
0xba: {  	[sflag:s29] =	ssyncadd.s32 $0xFFFFFFFF  }
0xbb: {  	_ =	strace $0x90000048  }
0xbc: {  	_ =	sfence  }
0xbd: {  	s30 =	sld [smem:$0x0];
	_ =	sdelay $0x2  }
0xbe: {  	s31 =	sshll.u32 s1, $0xD;
	s1 =	sshrl.u32 s1, $0x2  }
0xbf: {  	s3 =	sand.u32 $0x4000, s31;
	s1 =	sadd.s32 s1, s30  }
0xc0: {  	s0 =	sor.u32 s3, s0;
	s1 =	sshll.u32 s1, $0x11  }
0xc1: {  	s0 =	sor.u32 s1, s0  }
0xc2: {  	s0 =	sadd.s32 $0x8F2B, s0  }
0xc3: {  	[sflag:s0] =	ssyncadd.remote.s32 $0x1  }
0xc4: {  	_ =	sfence.sel $0xFFFF  }
0xc5: {  	[dreg:$0x0] =	wrdreg $0xFFFFFFFF;
	(pc) =	sbr.abs _section_cstart, $3  }
0xc6: {  	[dreg:$0x1] =	wrdreg $0xFFFFFFFF  }
0xc7: {  	_ =	task.clear_ibuf [dreg:s10], $0x2FFFF;
	_ =	strace $0x9FFFFFFF  }
0xc8: {  	(tm) =	ssettm $0x7FFFFFFF  }
0xc9: {  	_ =	shalt  }
tec
execute0_lowered:
.L_overlay_start_1:
0x0: {  	(tag) =	ssettag $0x1  }
0x1: {  	s0 =	rddreg [dreg:$0x0]  }
0x2: {  	s5 =	rddreg [dreg:$0x1]  }
0x3: {  	s7 =	rddreg [dreg:$0x2]  }
0x4: {  	s3 =	rddreg [dreg:$0x3];
	s2 =	srdreg.scid  }
0x5: {  	s1 =	stileid.u32;
	s8 =	rddreg [dreg:$0x4]  }
0x6: {  	s11 =	simm.s32 $0x2780;
	s12 =	simm.s32 $0x4F00;
	s13 =	simm.s32 $0x50  }
0x7: {  	s14 =	simm.s32 $0x9E00;
	s15 =	simm.s32 $0xC600;
	s16 =	simm.s32 $0xEE00  }
0x8: {  	s17 =	simm.s32 $0x11600;
	s18 =	simm.s32 $0x13E00;
	s19 =	simm.s32 $0x16600  }
0x9: {  	s20 =	simm.s32 $0x1;
	s21 =	simm.s32 $0x2;
	s22 =	simm.s32 $0x7680  }
0xa: {  	s23 =	simm.s32 $0x0;
	s6 =	sand.u32 $0x1, s2;
	s4 =	sshll.u32 s1, $0x1  }
0xb: {  	s9 =	sor.u32 s6, s4;
	s4 =	simm.s32 $0x0;
	s6 =	ssub.s32 $0x2, s6  }
0xc: {  	s9 =	smul.u32 $0x4E2, s9;
	[smem:$0x7FF] =	sst s4;
	s10 =	sshrl.u32 s6, $0x1  }
0xd: {  	s2 =	rddreg [dreg:$0x5];
	_ =	strace $0x80000047;
	s10 =	ssub.s32 s6, s10  }
0xe: {  	s5 =	sadd.s32 s5, s9;
	s7 =	sadd.s32 s7, s9;
	s8 =	sadd.s32 s8, s9  }
0xf: {  	v0 =	vimm.f32 $0.0e+00;
	s9 =	smax.u32 s10, $0x1;
	s10 =	simm.s32 $0x3;
	s6 =	sadd.s32 $0x9E00, s5  }
.LBB2_1:
0x10: {  	[tilespmem:s4], [sflag:$0x3] =	stream.linear.gather [hbm4b:s6+s4], $0x2710, $0x38;
	[tilespmem:$0x18E00] =	vst v63  }
0x11: {  	_ =	swait.ge [sflag:s10], $0x2710  }
0x12: {  	[sflag:s10] =	ssyncset.done $0x0  }
0x13: {  	[sflag:s10] =	ssyncadd.s32 $0xFFFFD8F0  }
0x14: {  	[tilespmem:s11], [sflag:$0x3] =	stream.linear.gather [hbm4b:s5+s4], $0x2710, $0x38;
	[tilespmem:$0x18E00] =	vst v63  }
0x15: {  	_ =	swait.ge [sflag:s10], $0x2710  }
0x16: {  	[sflag:s10] =	ssyncset.done $0x0  }
0x17: {  	[sflag:s10] =	ssyncadd.s32 $0xFFFFD8F0  }
0x18: {  	[tilespmem:s12], [sflag:$0x3] =	stream.linear.gather [hbm4b:s7+s4], $0x2710, $0x38;
	[tilespmem:$0x18E00] =	vst v63  }
0x19: {  	_ =	swait.ge [sflag:s10], $0x2710  }
0x1a: {  	[sflag:s10] =	ssyncset.done $0x0  }
0x1b: {  	[sflag:s10] =	ssyncadd.s32 $0xFFFFD8F0  }
0x1c: {  	[tilespmem:s14], [sflag:$0x1] =	stream.indirect.gather [hbm4b:s0+s13], $0x80, s4, s13, $0xb8;
	[tilespmem:$0x18E00] =	vst v63  }
0x1d: {  	_ = 	snop  }
0x1e: {  	[tilespmem:s15], [sflag:$0x1] =	stream.indirect.gather [hbm4b:s0+s13], $0x80, s11, s13, $0xb8;
	[tilespmem:$0x18E00] =	vst v63  }
0x1f: {  	_ = 	snop  }
0x20: {  	[tilespmem:s16], [sflag:$0x1] =	stream.indirect.gather [hbm4b:s3+s13], $0x80, s12, s13, $0xb8;
	[tilespmem:$0x18E00] =	vst v63  }
0x21: {  	s24 =	simm.s32 $0x50  }
0x22: {  	[tilespmem:s17], [sflag:$0x2] =	stream.indirect.gather [hbm4b:s0+s13], $0x80, s24, s13, $0xb8;
	[tilespmem:$0x18E00] =	vst v63  }
0x23: {  	s30 =	simm.s32 $0x27D0  }
0x24: {  	[tilespmem:s18], [sflag:$0x2] =	stream.indirect.gather [hbm4b:s0+s13], $0x80, s30, s13, $0xb8;
	[tilespmem:$0x18E00] =	vst v63  }
0x25: {  	s31 =	simm.s32 $0x4F50  }
0x26: {  	[tilespmem:s19], [sflag:$0x2] =	stream.indirect.gather [hbm4b:s3+s13], $0x80, s31, s13, $0xb8;
	[tilespmem:$0x18E00] =	vst v63  }
0x27: {  	_ =	swait.ge [sflag:s20], $0x2800  }
0x28: {  	[sflag:s20] =	ssyncset.done $0x0  }
0x29: {  	[sflag:s20] =	ssyncadd.s32 $0xFFFFD800  }
0x2a: {  	_ =	swait.ge [sflag:s20], $0x2800  }
0x2b: {  	[sflag:s20] =	ssyncset.done $0x0  }
0x2c: {  	[sflag:s20] =	ssyncadd.s32 $0xFFFFD800  }
0x2d: {  	_ =	swait.ge [sflag:s20], $0x2800  }
0x2e: {  	[sflag:s20] =	ssyncset.done $0x0  }
0x2f: {  	s24 =	simm.s32 $0x0;
	[sflag:s20] =	ssyncadd.s32 $0xFFFFD800  }
0x30: {  	s25 =	simm.s32 $0x280;
	[tilespmem:s24+$0x7690] =	vst v0  }
.LBB2_2:
0x31: {  	p0 =	sne.s32 s25, $0x9880;
	[tilespmem:s24+$0x7680] =	vst v0;
	s26 =	smov.u32 s25;
	s25 =	sadd.s32 $0x280, s25  }
0x32: {  	[tilespmem:s24+$0x76A0] =	vst v0  }
0x33: {  	[tilespmem:s24+$0x76B0] =	vst v0  }
0x34: {  	s28 =	sadd.s32 $0xA0, s24;
	[tilespmem:s24+$0x76C0] =	vst v0  }
0x35: {  	[tilespmem:s14], [sflag:$0x1] =	stream.indirect.gather [hbm4b:s0+s13], $0x80, s28, s13, $0xb8;
	[tilespmem:$0x18E00] =	vst v63  }
0x36: {  	s28 =	sadd.s32 $0x2820, s24  }
0x37: {  	[tilespmem:s15], [sflag:$0x1] =	stream.indirect.gather [hbm4b:s0+s13], $0x80, s28, s13, $0xb8;
	[tilespmem:$0x18E00] =	vst v63  }
0x38: {  	s26 =	sshra.s32 s26, $0x2;
	s28 =	sadd.s32 $0x4FA0, s24  }
0x39: {  	[tilespmem:s16], [sflag:$0x1] =	stream.indirect.gather [hbm4b:s3+s13], $0x80, s28, s13, $0xb8;
	[tilespmem:$0x18E00] =	vst v63  }
0x3a: {  	_ =	swait.ge [sflag:s21], $0x2800  }
0x3b: {  	[sflag:s21] =	ssyncset.done $0x0  }
0x3c: {  	[sflag:s21] =	ssyncadd.s32 $0xFFFFD800  }
0x3d: {  	_ =	swait.ge [sflag:s21], $0x2800  }
0x3e: {  	[sflag:s21] =	ssyncset.done $0x0  }
0x3f: {  	[sflag:s21] =	ssyncadd.s32 $0xFFFFD800  }
0x40: {  	_ =	swait.ge [sflag:s21], $0x2800  }
0x41: {  	[sflag:s21] =	ssyncset.done $0x0  }
0x42: {  	[sflag:s21] =	ssyncadd.s32 $0xFFFFD800  }
0x43: {  	[tilespmem:s24+$0x76D0] =	vst v0  }
0x44: {  	[tilespmem:s24+$0x7710] =	vst v0  }
0x45: {  	[tilespmem:s24+$0x7700] =	vst v0  }
0x46: {  	[tilespmem:s24+$0x76F0] =	vst v0  }
0x47: {  	s28 =	sadd.s32 $0x50, s26;
	[tilespmem:s24+$0x76E0] =	vst v0;
	s24 =	smov.u32 s26  }
0x48: {  	[tilespmem:s17], [sflag:$0x2] =	stream.indirect.gather [hbm4b:s0+s13], $0x80, s28, s13, $0xb8;
	[tilespmem:$0x18E00] =	vst v63  }
0x49: {  	s26 =	sadd.s32 $0x27D0, s24  }
0x4a: {  	[tilespmem:s18], [sflag:$0x2] =	stream.indirect.gather [hbm4b:s0+s13], $0x80, s26, s13, $0xb8;
	[tilespmem:$0x18E00] =	vst v63  }
0x4b: {  	s26 =	sadd.s32 $0x4F50, s24  }
0x4c: {  	[tilespmem:s19], [sflag:$0x2] =	stream.indirect.gather [hbm4b:s3+s13], $0x80, s26, s13, $0xb8;
	[tilespmem:$0x18E00] =	vst v63  }
0x4d: {  	_ =	swait.ge [sflag:s20], $0x2800  }
0x4e: {  	[sflag:s20] =	ssyncset.done $0x0  }
0x4f: {  	[sflag:s20] =	ssyncadd.s32 $0xFFFFD800  }
0x50: {  	_ =	swait.ge [sflag:s20], $0x2800  }
0x51: {  	[sflag:s20] =	ssyncset.done $0x0  }
.Ltmp0:
0x52: {  	[sflag:s20] =	ssyncadd.s32 $0xFFFFD800;
	(pc) =	sbr.rel @p0 .LBB2_2-.Ltmp0, $4  }
0x53: {  	_ =	swait.ge [sflag:s20], $0x2800  }
0x54: {  	[sflag:s20] =	ssyncset.done $0x0  }
0x55: {  	[sflag:s20] =	ssyncadd.s32 $0xFFFFD800  }
0x56: {  	[tilespmem:s24+$0x7690] =	vst v0  }
0x57: {  	[tilespmem:s24+$0x7680] =	vst v0  }
0x58: {  	[tilespmem:s24+$0x76A0] =	vst v0  }
0x59: {  	[tilespmem:s24+$0x76B0] =	vst v0  }
0x5a: {  	[tilespmem:s24+$0x76C0] =	vst v0;
	s25 =	sadd.s32 $0xA0, s24  }
0x5b: {  	[tilespmem:s14], [sflag:$0x1] =	stream.indirect.gather [hbm4b:s0+s13], $0x80, s25, s13, $0xb8;
	[tilespmem:$0x18E00] =	vst v63  }
0x5c: {  	s30 =	sadd.s32 $0x2820, s24  }
0x5d: {  	[tilespmem:s15], [sflag:$0x1] =	stream.indirect.gather [hbm4b:s0+s13], $0x80, s30, s13, $0xb8;
	[tilespmem:$0x18E00] =	vst v63  }
0x5e: {  	s31 =	sadd.s32 $0x4FA0, s24  }
0x5f: {  	[tilespmem:s16], [sflag:$0x1] =	stream.indirect.gather [hbm4b:s3+s13], $0x80, s31, s13, $0xb8;
	[tilespmem:$0x18E00] =	vst v63  }
0x60: {  	_ =	swait.ge [sflag:s21], $0x2800  }
0x61: {  	[sflag:s21] =	ssyncset.done $0x0  }
0x62: {  	[sflag:s21] =	ssyncadd.s32 $0xFFFFD800  }
0x63: {  	_ =	swait.ge [sflag:s21], $0x2800  }
0x64: {  	[sflag:s21] =	ssyncset.done $0x0  }
0x65: {  	[sflag:s21] =	ssyncadd.s32 $0xFFFFD800  }
0x66: {  	_ =	swait.ge [sflag:s21], $0x2800  }
0x67: {  	[sflag:s21] =	ssyncset.done $0x0  }
0x68: {  	[sflag:s21] =	ssyncadd.s32 $0xFFFFD800  }
0x69: {  	[tilespmem:s24+$0x76D0] =	vst v0  }
0x6a: {  	[tilespmem:s24+$0x7710] =	vst v0  }
0x6b: {  	[tilespmem:s24+$0x7700] =	vst v0  }
0x6c: {  	[tilespmem:s24+$0x76F0] =	vst v0  }
0x6d: {  	[tilespmem:s24+$0x76E0] =	vst v0  }
0x6e: {  	_ =	swait.ge [sflag:s20], $0x2800  }
0x6f: {  	[sflag:s20] =	ssyncset.done $0x0  }
0x70: {  	[sflag:s20] =	ssyncadd.s32 $0xFFFFD800  }
0x71: {  	_ =	swait.ge [sflag:s20], $0x2800  }
0x72: {  	[sflag:s20] =	ssyncset.done $0x0  }
0x73: {  	[sflag:s20] =	ssyncadd.s32 $0xFFFFD800  }
0x74: {  	_ =	swait.ge [sflag:s20], $0x2800  }
0x75: {  	[sflag:s20] =	ssyncset.done $0x0  }
0x76: {  	[sflag:s20] =	ssyncadd.s32 $0xFFFFD800  }
0x77: {  	[tilespmem:$0x9D40] =	vst v0  }
0x78: {  	[tilespmem:$0x9D50] =	vst v0  }
0x79: {  	s23 =	sadd.s32 $0x1, s23;
	[tilespmem:$0x9D60] =	vst v0  }
0x7a: {  	p0 =	sne.s32 s23, s9;
	[tilespmem:$0x9D70] =	vst v0  }
.Ltmp1:
0x7b: {  	[tilespmem:$0x9D80] =	vst v0;
	(pc) =	sbr.rel @p0 .LBB2_1-.Ltmp1, $4  }
0x7c: {  	[hbm4b:s8+s4] =	stream.linear.scatter [tilespmem:s22], [sflag:$0x3], $0x2710, $0x38;
	[tilespmem:$0x18E00] =	vst v63  }
0x7d: {  	_ =	swait.ge [sflag:s10], $0x2710  }
0x7e: {  	[sflag:s10] =	ssyncset.done $0x0  }
0x7f: {  	[sflag:s10] =	ssyncadd.s32 $0xFFFFD8F0  }
0x80: {  	_ =	sfence.sel $0x180000  }
0x81: {  	[bflag:$0x0] =	sbarrier.arrive $0xFFFF  }
0x82: {  	p0 =	sne.s32 s1, $0x0;
	_ =	strace $0x90000047  }
0x83: {  	s0 =	sadd.s32 @!p0 $0x100000, s2;
	[bflag:$0x2] =	sbarrier.arrive $0xFFFF  }
0x84: {  	[sflag:s0] =	ssyncadd.tile.s32 @!p0 $0x1;
	_ =	shalt  }
.Lfunc_end2:
_tile_overlayer_lowered:
.L_overlay_start_2:
0x85: {  	(tag) =	ssettag $0x2  }
0x86: {  	s0 =	rddreg [dreg:$0x0];
	s2 =	stileid.u32  }
0x87: {  	s1 =	rddreg [dreg:$0x1];
	p0 =	sne.s32 s2, $0x0  }
0x88: {  	s3 =	rddreg [dreg:$0x2];
	[bflag:$0x3] =	sbarrier.arrive $0xFFFF;
	s2 =	simm.s32 @!p0 $0x1C03  }
0x89: {  	[timem:s3], [sflag:s2] =	dma.local @!p0 [hbm:s0], s1  }
0x8a: {  	s0 =	simm.s32 @!p0 $0x3  }
0x8b: {  	_ =	swait.ge @!p0 [sflag:s0], s1  }
0x8c: {  	s1 =	ssub.s32 @!p0 $0x0, s1;
	[sflag:s0] =	ssyncset.done @!p0 $0x0  }
0x8d: {  	[sflag:s0] =	ssyncadd.s32 @!p0 s1  }
0x8e: {  	[bflag:$0x3] =	sbarrier.arrive $0xFFFF  }
0x8f: {  	_ =	shalt  }

</sc_bundles>
